<compile_context>
chip_gen: v7x
topology: tpu7x:2x2x1
jax: 0.10.2.dev20260603
libtpu: 0.0.44.dev20260713+nightly
codegen_flags: <defaults>
</compile_context>

<pallas_src>
import functools

import jax
import jax.numpy as jnp
from jax import lax
from jax.experimental import pallas as pl
from jax.experimental.pallas import tpu as pltpu
from jax.experimental.pallas import tpu_sc as plsc

B, S, D = 4, 2048, 1024
P = 64
L = 8
TOP_K = 2

N_STREAM = 8
R_CHUNK = 256
N_CHUNK = (B * S) // (N_STREAM * R_CHUNK)
ROWS = B * TOP_K * L


def _tc_body(*refs):
    x_refs = refs[:N_STREAM]
    (pk_ref, sim_ref, sep_ref, vals_ref, rows_ref,
     acc_ref, pkn_ref) = refs[N_STREAM:]
    i = pl.program_id(0)

    @pl.when(i == 0)
    def _init():
        acc_ref[...] = jnp.zeros_like(acc_ref)
        pk = pk_ref[...]
        pkn = pk * lax.rsqrt(
            jnp.maximum(jnp.sum(pk * pk, axis=1, keepdims=True), 1e-12))
        pkn_ref[...] = pkn
        gram = lax.dot_general(
            pkn, pkn, (((1,), (1,)), ((), ())),
            precision=lax.Precision.HIGHEST)
        r = lax.broadcasted_iota(jnp.int32, (P, P), 0)
        c = lax.broadcasted_iota(jnp.int32, (P, P), 1)
        diff = gram - jnp.where(r == c, 1.0, 0.0).astype(jnp.float32)
        d2 = diff * diff
        sep_ref[...] = jnp.sum(
            jnp.sum(d2, axis=1, keepdims=True), axis=0, keepdims=True
        ) * (1.0 / (P * P))

    for q, xr in enumerate(x_refs):
        acc_ref[q:q + 1, :] += jnp.sum(xr[...], axis=0, keepdims=True)

    @pl.when(i == N_CHUNK - 1)
    def _final():
        accv = acc_ref[...].reshape(B, N_STREAM // B, D)
        mean = jnp.sum(accv, axis=1) * (1.0 / S)
        xn = mean * lax.rsqrt(
            jnp.maximum(jnp.sum(mean * mean, axis=1, keepdims=True), 1e-12))
        pkn = pkn_ref[...]

        sim = lax.dot_general(
            xn, pkn, (((1,), (1,)), ((), ())),
            precision=lax.Precision.HIGHEST)
        sim_ref[...] = sim

        ids = lax.broadcasted_iota(jnp.int32, (B, P), 1)
        m1 = jnp.max(sim, axis=1, keepdims=True)
        i1 = jnp.min(jnp.where(sim == m1, ids, P), axis=1, keepdims=True)
        sim2 = jnp.where(ids == i1, -jnp.inf, sim)
        m2 = jnp.max(sim2, axis=1, keepdims=True)
        i2 = jnp.min(jnp.where(sim2 == m2, ids, P), axis=1, keepdims=True)
        vals_ref[...] = jnp.concatenate([m1, m2], axis=1)

        c16 = lax.broadcasted_iota(jnp.int32, (B, TOP_K * L), 1)
        idxb = jnp.where(c16 < L, i1, i2)
        rows_ref[...] = idxb * L + (c16 % L)


def _tc_stage(x_flat, prompt_keys):
    def xspec(q):
        return pl.BlockSpec((R_CHUNK, D), lambda i, q=q: (q * N_CHUNK + i, 0))

    return pl.pallas_call(
        _tc_body,
        grid=(N_CHUNK,),
        in_specs=[
            *(xspec(q) for q in range(N_STREAM)),
            pl.BlockSpec((P, D), lambda i: (0, 0)),
        ],
        out_specs=[
            pl.BlockSpec((B, P), lambda i: (0, 0)),
            pl.BlockSpec((1, 1), lambda i: (0, 0)),
            pl.BlockSpec((B, TOP_K), lambda i: (0, 0)),
            pl.BlockSpec((B, TOP_K * L), lambda i: (0, 0)),
        ],
        out_shape=[
            jax.ShapeDtypeStruct((B, P), jnp.float32),
            jax.ShapeDtypeStruct((1, 1), jnp.float32),
            jax.ShapeDtypeStruct((B, TOP_K), jnp.float32),
            jax.ShapeDtypeStruct((B, TOP_K * L), jnp.int32),
        ],
        scratch_shapes=[pltpu.VMEM((N_STREAM, D), jnp.float32),
                        pltpu.VMEM((P, D), jnp.float32)],
    )(*([x_flat] * N_STREAM), prompt_keys)


_R_PER_W = 8
_N_W = ROWS // _R_PER_W


def _sc_gather(table, rows_idx):
    mesh = plsc.VectorSubcoreMesh(
        core_axis_name="c", subcore_axis_name="s", num_cores=1,
        num_subcores=_N_W)

    @functools.partial(
        pl.kernel,
        out_type=jax.ShapeDtypeStruct((ROWS, D), jnp.float32),
        mesh=mesh,
        scratch_types=[
            pltpu.VMEM((_R_PER_W,), jnp.int32),
            pltpu.VMEM((_R_PER_W, D), jnp.float32),
            pltpu.SemaphoreType.DMA,
        ],
    )
    def gather_kernel(table_hbm, idx_hbm, out_hbm, idx_v, rows_v, sem):
        wid = lax.axis_index("s")

        @pl.when(wid < _N_W)
        def _():
            b = wid // TOP_K
            k = wid % TOP_K
            pltpu.sync_copy(idx_hbm.at[b, pl.ds(k * L, _R_PER_W)], idx_v)
            pltpu.async_copy(table_hbm.at[idx_v], rows_v, sem).wait()
            pltpu.sync_copy(rows_v, out_hbm.at[pl.ds(wid * _R_PER_W,
                                                     _R_PER_W)])

    return gather_kernel(table, rows_idx)


@jax.jit
def _run(x_embed, prompt_keys, prompts):
    x_flat = x_embed.reshape(B * S, D)
    sim, sep, vals, rows = _tc_stage(x_flat, prompt_keys)
    table = prompts.reshape(P * L, D)
    gathered = _sc_gather(table, rows)
    batched_prompt = gathered.reshape(B, TOP_K * L, D)
    zero = jnp.zeros((), dtype=jnp.float32)
    return sim, zero, sep.reshape(()), vals, batched_prompt


def kernel(x_embed, prompt_keys, prompts, layer_idx):
    del layer_idx
    return _run(x_embed, prompt_keys, prompts)

# --- scband reference (transcript-rebuilt; emitter-appended) ---
"""Pipeline reference for scband-mix-prompt-16930761081179 (READ-ONLY COPY).

The authoritative reference and input builder live on the scoring server;
editing this copy changes nothing except your own understanding.
"""

import jax, jax.numpy as jnp
import numpy as np

B, S, D = 4, 2048, 1024
P = 64          # pool_size (prompts per layer)
L = 8           # prompt length
TOP_K = 2

def setup_inputs(seed: int = 0) -> dict:
    key = jax.random.key(seed)
    k1, k2, k3 = jax.random.split(key, 3)
    x_embed = jax.random.normal(k1, (B, S, D), dtype=jnp.float32)
    # learned params: per-prompt key (1,D) each -> concatenated [P, D]; prompt tokens [P, L, D]
    prompt_keys = jax.random.uniform(k2, (P, D), minval=-1.0, maxval=1.0, dtype=jnp.float32)
    prompts = jax.random.uniform(k3, (P, L, D), minval=-1.0, maxval=1.0, dtype=jnp.float32)
    return {"x_embed": x_embed, "prompt_keys": prompt_keys, "prompts": prompts, "layer_idx": 0}

def _l2_normalize(x, axis, epsilon=1e-12):
    square_sum = jnp.sum(x ** 2, axis=axis, keepdims=True)
    x_inv_norm = jax.lax.rsqrt(jnp.maximum(square_sum, epsilon))
    return x * x_inv_norm

def reference(x_embed, prompt_keys, prompts, layer_idx):
    # embedding_key == 'mean'
    x_embed_mean = jnp.mean(x_embed, axis=1)                      # [B, D]
    prompt_key_norm = _l2_normalize(prompt_keys, axis=1)          # [P, D]
    x_embed_norm = _l2_normalize(x_embed_mean, axis=1)            # [B, D]
    similarity = jnp.matmul(x_embed_norm, prompt_key_norm.T)      # [B, P]
    # old_count == P (init_train_prompt_pool sets old_prompt_counts to pool size)
    new_old_orthogonal_loss = jnp.asarray(0.0, dtype=jnp.float32)
    gram_matrix = jnp.matmul(prompt_key_norm, prompt_key_norm.T)  # [P, P]
    identity = jnp.eye(P, dtype=gram_matrix.dtype)
    separation_loss = jnp.mean((gram_matrix - identity) ** 2)
    topk_values, topk_idx = jax.lax.top_k(similarity, TOP_K)      # [B, K]
    # gather selected prompts (batchwise_prompt=False): [B, K, L, D] -> [B, K*L, D]
    batched_prompt = jnp.take(prompts, topk_idx, axis=0)
    batched_prompt = batched_prompt.reshape(B, TOP_K * L, D)
    return (similarity, new_old_orthogonal_loss, separation_loss, topk_values, batched_prompt)

if __name__ == "__main__":
    import jax
    _d = setup_inputs()
    print(jax.jit(kernel)(*tuple(_d.values())))

</pallas_src>

<mosaic_0001>
#map = affine_map<(d0, d1) -> (0, 0)>
module attributes {stable_mosaic.version = 14 : i64} {
  func.func @gather_kernel(%arg0: i32, %arg1: i32, %arg2: memref<512x1024xf32, #tpu.memory_space<hbm>>, %arg3: memref<4x16xi32, #tpu.memory_space<hbm>>, %arg4: memref<64x1024xf32, #tpu.memory_space<hbm>>, %arg5: memref<8xi32, #tpu.memory_space<vmem>>, %arg6: memref<8x1024xf32, #tpu.memory_space<vmem>>, %arg7: memref<!tpu.dma_semaphore, #tpu.memory_space<semaphore_mem>>) attributes {dimension_semantics = [#tpu.dimension_semantics<core_parallel>, #tpu.dimension_semantics<subcore_parallel>], iteration_bounds = array<i64: 1, 8>, scalar_prefetch = 0 : i64, scratch_operands = 3 : i64, tpu.core_type = #tpu.core_type<sc_vector_subcore>, window_params = [{transform_indices = #map}, {transform_indices = #map}, {transform_indices = #map}]} {
    %lt3A = arith.constant 8 : i32
    %lt3A_0 = arith.cmpi slt, %arg1, %lt3A : i32
    %convert_element_type3A = arith.extui %lt3A_0 : i1 to i32
    %cond3A = arith.constant 0 : i32
    %cond3A_1 = arith.cmpi ne, %convert_element_type3A, %cond3A : i32
    scf.if %cond3A_1 {
      %jit3A = arith.constant 2 : i32
      %div3A = arith.divsi %arg1, %jit3A : i32
      %sign3A = arith.constant 0 : i32
      %sign3A_2 = arith.cmpi sgt, %arg1, %sign3A : i32
      %sign3A_3 = arith.extui %sign3A_2 : i1 to i32
      %sign3A_4 = arith.constant 0 : i32
      %sign3A_5 = arith.cmpi slt, %arg1, %sign3A_4 : i32
      %sign3A_6 = arith.extui %sign3A_5 : i1 to i32
      %sign3A_7 = arith.subi %sign3A_3, %sign3A_6 : i32
      %sign3A_8 = arith.constant 0 : i32
      %sign3A_9 = arith.cmpi sgt, %jit3A, %sign3A_8 : i32
      %sign3A_10 = arith.extui %sign3A_9 : i1 to i32
      %sign3A_11 = arith.constant 0 : i32
      %sign3A_12 = arith.cmpi slt, %jit3A, %sign3A_11 : i32
      %sign3A_13 = arith.extui %sign3A_12 : i1 to i32
      %sign3A_14 = arith.subi %sign3A_10, %sign3A_13 : i32
      %ne3A = arith.cmpi ne, %sign3A_7, %sign3A_14 : i32
      %rem3A = arith.remsi %arg1, %jit3A : i32
      %ne3A_15 = arith.constant 0 : i32
      %ne3A_16 = arith.cmpi ne, %rem3A, %ne3A_15 : i32
      %and3A = arith.andi %ne3A, %ne3A_16 : i1
      %sub3A = arith.constant 1 : i32
      %sub3A_17 = arith.subi %div3A, %sub3A : i32
      %select_n3A = arith.select %and3A, %sub3A_17, %div3A : i32
      %jit3A_18 = arith.constant 2 : i32
      %eq3A = arith.constant 0 : i32
      %eq3A_19 = arith.cmpi eq, %jit3A_18, %eq3A : i32
      %jit3A_20 = arith.constant 1 : i32
      %select_n3A_21 = arith.select %eq3A_19, %jit3A_20, %jit3A_18 : i32
      %rem3A_22 = arith.remsi %arg1, %select_n3A_21 : i32
      %ne3A_23 = arith.constant 0 : i32
      %ne3A_24 = arith.cmpi ne, %rem3A_22, %ne3A_23 : i32
      %lt3A_25 = arith.constant 0 : i32
      %lt3A_26 = arith.cmpi slt, %rem3A_22, %lt3A_25 : i32
      %lt3A_27 = arith.constant 0 : i32
      %lt3A_28 = arith.cmpi slt, %select_n3A_21, %lt3A_27 : i32
      %ne3A_29 = arith.xori %lt3A_26, %lt3A_28 : i1
      %and3A_30 = arith.andi %ne3A_29, %ne3A_24 : i1
      %add3A = arith.addi %rem3A_22, %select_n3A_21 : i32
      %select_n3A_31 = arith.select %and3A_30, %add3A, %rem3A_22 : i32
      %mul3A = arith.constant 8 : i32
      %mul3A_32 = arith.muli %select_n3A_31, %mul3A : i32
      "tpu.region"() ({
        %run_scoped3A = tpu.sem_alloc : memref<!tpu.dma_semaphore, #tpu.memory_space<semaphore_mem>>
        %dma_start3A_39 = tpu.memref_slice %arg3[%select_n3A, %mul3A_32] : memref<4x16xi32, #tpu.memory_space<hbm>> -> memref<1x8xi32, #tpu.memory_space<hbm>>
        %dma_start3A_40 = tpu.memref_squeeze %dma_start3A_39 : memref<1x8xi32, #tpu.memory_space<hbm>> -> memref<8xi32, #tpu.memory_space<hbm>>
        %dma_start3A_41 = tpu.memref_slice %arg3[%select_n3A, %mul3A_32] : memref<4x16xi32, #tpu.memory_space<hbm>> -> memref<1x8xi32, #tpu.memory_space<hbm>>
        %dma_start3A_42 = tpu.memref_squeeze %dma_start3A_41 : memref<1x8xi32, #tpu.memory_space<hbm>> -> memref<8xi32, #tpu.memory_space<hbm>>
        tpu.enqueue_dma source(%dma_start3A_42 : memref<8xi32, #tpu.memory_space<hbm>>) target(%arg5 : memref<8xi32, #tpu.memory_space<vmem>>) target_semaphore(%run_scoped3A : memref<!tpu.dma_semaphore, #tpu.memory_space<semaphore_mem>>)
        %dma_wait3A_43 = tpu.memref_slice %arg3[%select_n3A, %mul3A_32] : memref<4x16xi32, #tpu.memory_space<hbm>> -> memref<1x8xi32, #tpu.memory_space<hbm>>
        %dma_wait3A_44 = tpu.memref_squeeze %dma_wait3A_43 : memref<1x8xi32, #tpu.memory_space<hbm>> -> memref<8xi32, #tpu.memory_space<hbm>>
        %dma_wait3A_45 = tpu.memref_slice %arg3[%select_n3A, %mul3A_32] : memref<4x16xi32, #tpu.memory_space<hbm>> -> memref<1x8xi32, #tpu.memory_space<hbm>>
        %dma_wait3A_46 = tpu.memref_squeeze %dma_wait3A_45 : memref<1x8xi32, #tpu.memory_space<hbm>> -> memref<8xi32, #tpu.memory_space<hbm>>
        tpu.wait_dma2 semaphore(%run_scoped3A : memref<!tpu.dma_semaphore, #tpu.memory_space<semaphore_mem>>) src(%dma_wait3A_46 : memref<8xi32, #tpu.memory_space<hbm>>) dst(%arg5 : memref<8xi32, #tpu.memory_space<vmem>>)
        tpu.yield
      }) : () -> ()
      %dma_start3A = arith.constant 0 : i32
      %dma_start3A_33 = arith.constant 0 : i32
      %dma_start3A_34 = tpu.memref_slice %arg2[%dma_start3A, %dma_start3A_33] : memref<512x1024xf32, #tpu.memory_space<hbm>> -> memref<512x1024xf32, #tpu.memory_space<hbm>>
      tpu.enqueue_indirect_dma source(%dma_start3A_34 : memref<512x1024xf32, #tpu.memory_space<hbm>>) target(%arg6 : memref<8x1024xf32, #tpu.memory_space<vmem>>) offsets(%arg5 : memref<8xi32, #tpu.memory_space<vmem>>) semaphore(%arg7 : memref<!tpu.dma_semaphore, #tpu.memory_space<semaphore_mem>>)
      %dma_wait3A = arith.constant 0 : i32
      %dma_wait3A_35 = arith.constant 0 : i32
      %dma_wait3A_36 = tpu.memref_slice %arg2[%dma_wait3A, %dma_wait3A_35] : memref<512x1024xf32, #tpu.memory_space<hbm>> -> memref<512x1024xf32, #tpu.memory_space<hbm>>
      tpu.wait_indirect_dma semaphore(%arg7 : memref<!tpu.dma_semaphore, #tpu.memory_space<semaphore_mem>>) src(%dma_wait3A_36 : memref<512x1024xf32, #tpu.memory_space<hbm>>) dst(%arg6 : memref<8x1024xf32, #tpu.memory_space<vmem>>)
      %mul3A_37 = arith.constant 8 : i32
      %mul3A_38 = arith.muli %arg1, %mul3A_37 : i32
      "tpu.region"() ({
        %run_scoped3A = tpu.sem_alloc : memref<!tpu.dma_semaphore, #tpu.memory_space<semaphore_mem>>
        %dma_start3A_39 = arith.constant 0 : i32
        %dma_start3A_40 = tpu.memref_slice %arg4[%mul3A_38, %dma_start3A_39] : memref<64x1024xf32, #tpu.memory_space<hbm>> -> memref<8x1024xf32, #tpu.memory_space<hbm>>
        %dma_start3A_41 = arith.constant 0 : i32
        %dma_start3A_42 = tpu.memref_slice %arg4[%mul3A_38, %dma_start3A_41] : memref<64x1024xf32, #tpu.memory_space<hbm>> -> memref<8x1024xf32, #tpu.memory_space<hbm>>
        tpu.enqueue_dma source(%arg6 : memref<8x1024xf32, #tpu.memory_space<vmem>>) target(%dma_start3A_42 : memref<8x1024xf32, #tpu.memory_space<hbm>>) target_semaphore(%run_scoped3A : memref<!tpu.dma_semaphore, #tpu.memory_space<semaphore_mem>>)
        %dma_wait3A_43 = arith.constant 0 : i32
        %dma_wait3A_44 = tpu.memref_slice %arg4[%mul3A_38, %dma_wait3A_43] : memref<64x1024xf32, #tpu.memory_space<hbm>> -> memref<8x1024xf32, #tpu.memory_space<hbm>>
        %dma_wait3A_45 = arith.constant 0 : i32
        %dma_wait3A_46 = tpu.memref_slice %arg4[%mul3A_38, %dma_wait3A_45] : memref<64x1024xf32, #tpu.memory_space<hbm>> -> memref<8x1024xf32, #tpu.memory_space<hbm>>
        tpu.wait_dma2 semaphore(%run_scoped3A : memref<!tpu.dma_semaphore, #tpu.memory_space<semaphore_mem>>) src(%arg6 : memref<8x1024xf32, #tpu.memory_space<vmem>>) dst(%dma_wait3A_46 : memref<8x1024xf32, #tpu.memory_space<hbm>>)
        tpu.yield
      }) : () -> ()
    } else {
    }
    return
  }
}

module attributes {stable_mosaic.version = 14 : i64} {
  func.func @_tc_body(%arg0: i32, %arg1: memref<256x1024xf32, #tpu.memory_space<vmem>>, %arg2: memref<256x1024xf32, #tpu.memory_space<vmem>>, %arg3: memref<256x1024xf32, #tpu.memory_space<vmem>>, %arg4: memref<256x1024xf32, #tpu.memory_space<vmem>>, %arg5: memref<256x1024xf32, #tpu.memory_space<vmem>>, %arg6: memref<256x1024xf32, #tpu.memory_space<vmem>>, %arg7: memref<256x1024xf32, #tpu.memory_space<vmem>>, %arg8: memref<256x1024xf32, #tpu.memory_space<vmem>>, %arg9: memref<64x1024xf32, #tpu.memory_space<vmem>>, %arg10: memref<4x64xf32, #tpu.memory_space<vmem>>, %arg11: memref<1x1xf32, #tpu.memory_space<vmem>>, %arg12: memref<4x2xf32, #tpu.memory_space<vmem>>, %arg13: memref<4x16xi32, #tpu.memory_space<vmem>>, %arg14: memref<8x1024xf32, #tpu.memory_space<vmem>>, %arg15: memref<64x1024xf32, #tpu.memory_space<vmem>>) attributes {dimension_semantics = [#tpu.dimension_semantics<arbitrary>], iteration_bounds = array<i64: 4>, scalar_prefetch = 0 : i64, scratch_operands = 2 : i64, tpu.core_type = #tpu.core_type<tc>, window_params = [{transform_indices = @transform_0, window_bounds = array<i64: 256, 1024>}, {transform_indices = @transform_1, window_bounds = array<i64: 256, 1024>}, {transform_indices = @transform_2, window_bounds = array<i64: 256, 1024>}, {transform_indices = @transform_3, window_bounds = array<i64: 256, 1024>}, {transform_indices = @transform_4, window_bounds = array<i64: 256, 1024>}, {transform_indices = @transform_5, window_bounds = array<i64: 256, 1024>}, {transform_indices = @transform_6, window_bounds = array<i64: 256, 1024>}, {transform_indices = @transform_7, window_bounds = array<i64: 256, 1024>}, {pipeline_mode = #tpu.pipeline_mode<synchronous>, transform_indices = @transform_8, window_bounds = array<i64: 64, 1024>}, {pipeline_mode = #tpu.pipeline_mode<synchronous>, transform_indices = @transform_9, window_bounds = array<i64: 4, 64>}, {pipeline_mode = #tpu.pipeline_mode<synchronous>, transform_indices = @transform_10, window_bounds = array<i64: 1, 1>}, {pipeline_mode = #tpu.pipeline_mode<synchronous>, transform_indices = @transform_11, window_bounds = array<i64: 4, 2>}, {pipeline_mode = #tpu.pipeline_mode<synchronous>, transform_indices = @transform_12, window_bounds = array<i64: 4, 16>}]} {
    %eq3A = arith.constant 0 : i32
    %eq3A_0 = arith.cmpi eq, %arg0, %eq3A : i32
    %convert_element_type3A = arith.extui %eq3A_0 : i1 to i32
    %cond3A = arith.constant 0 : i32
    %cond3A_1 = arith.cmpi ne, %convert_element_type3A, %cond3A : i32
    scf.if %cond3A_1 {
      %broadcast_in_dim3A_106 = arith.constant 0.000000e+00 : f32
      %broadcast_in_dim3A_107 = vector.broadcast %broadcast_in_dim3A_106 : f32 to vector<8x1024xf32>
      %swap3A_108 = arith.constant 0 : index
      %swap3A_109 = arith.constant 0 : index
      %swap3A_110 = vector.load %arg14[%swap3A_108, %swap3A_109] : memref<8x1024xf32, #tpu.memory_space<vmem>>, vector<8x1024xf32>
      tpu.vector_store %arg14[%swap3A_108, %swap3A_109], %broadcast_in_dim3A_107 {strides = array<i32>} : memref<8x1024xf32, #tpu.memory_space<vmem>>, vector<8x1024xf32>,
      %get3A_111 = arith.constant 0 : index
      %get3A_112 = arith.constant 0 : index
      %get3A_113 = vector.load %arg9[%get3A_111, %get3A_112] : memref<64x1024xf32, #tpu.memory_space<vmem>>, vector<64x1024xf32>
      %mul3A = arith.mulf %get3A_113, %get3A_113 : vector<64x1024xf32>
      %reduce_sum3A_114 = arith.constant dense<0.000000e+00> : vector<64xf32>
      %reduce_sum3A_115 = vector.multi_reduction <add>, %mul3A, %reduce_sum3A_114 [1] : vector<64x1024xf32> to vector<64xf32>
      %broadcast_in_dim3A_116 = vector.shape_cast %reduce_sum3A_115 : vector<64xf32> to vector<64x1xf32>
      %max3A = arith.constant 9.99999996E-13 : f32
      %max3A_117 = vector.broadcast %max3A : f32 to vector<64x1xf32>
      %max3A_118 = arith.maximumf %broadcast_in_dim3A_116, %max3A_117 : vector<64x1xf32>
      %rsqrt3A = math.rsqrt %max3A_118 : vector<64x1xf32>
      %mul3A_119 = vector.broadcast %rsqrt3A : vector<64x1xf32> to vector<64x1024xf32>
      %mul3A_120 = arith.mulf %get3A_113, %mul3A_119 : vector<64x1024xf32>
      %swap3A_121 = arith.constant 0 : index
      %swap3A_122 = arith.constant 0 : index
      %swap3A_123 = vector.load %arg15[%swap3A_121, %swap3A_122] : memref<64x1024xf32, #tpu.memory_space<vmem>>, vector<64x1024xf32>
      tpu.vector_store %arg15[%swap3A_121, %swap3A_122], %mul3A_120 {strides = array<i32>} : memref<64x1024xf32, #tpu.memory_space<vmem>>, vector<64x1024xf32>,
      %dot_general3A = arith.constant dense<0.000000e+00> : vector<64x64xf32>
      %dot_general3A_124 = tpu.matmul %mul3A_120, %mul3A_120, %dot_general3A {dimension_numbers = #tpu.dot_dimension_numbers<[1], [1], [0], [0], [0, 0, 1, 0], [], []>, precision = #tpu.contract_precision<fp32>, transpose_lhs_hint = false} : vector<64x1024xf32>, vector<64x1024xf32>, vector<64x64xf32> -> vector<64x64xf32>
      %iota3A = tpu.iota {dimensions = array<i32: 0>} : vector<64x64xi32>
      %iota3A_125 = tpu.iota {dimensions = array<i32: 1>} : vector<64x64xi32>
      %eq3A_126 = arith.cmpi eq, %iota3A, %iota3A_125 : vector<64x64xi32>
      %jit3A = arith.constant 1.000000e+00 : f32
      %jit3A_127 = arith.constant 0.000000e+00 : f32
      %broadcast_in_dim3A_128 = vector.broadcast %jit3A : f32 to vector<64x64xf32>
      %broadcast_in_dim3A_129 = vector.broadcast %jit3A_127 : f32 to vector<64x64xf32>
      %select_n3A = arith.select %eq3A_126, %broadcast_in_dim3A_128, %broadcast_in_dim3A_129 : vector<64x64xi1>, vector<64x64xf32>
      %sub3A = arith.subf %dot_general3A_124, %select_n3A : vector<64x64xf32>
      %mul3A_130 = arith.mulf %sub3A, %sub3A : vector<64x64xf32>
      %reduce_sum3A_131 = arith.constant dense<0.000000e+00> : vector<64xf32>
      %reduce_sum3A_132 = vector.multi_reduction <add>, %mul3A_130, %reduce_sum3A_131 [1] : vector<64x64xf32> to vector<64xf32>
      %broadcast_in_dim3A_133 = vector.shape_cast %reduce_sum3A_132 : vector<64xf32> to vector<64x1xf32>
      %reduce_sum3A_134 = arith.constant dense<0.000000e+00> : vector<1xf32>
      %reduce_sum3A_135 = vector.multi_reduction <add>, %broadcast_in_dim3A_133, %reduce_sum3A_134 [0] : vector<64x1xf32> to vector<1xf32>
      %broadcast_in_dim3A_136 = vector.shape_cast %reduce_sum3A_135 : vector<1xf32> to vector<1x1xf32>
      %mul3A_137 = arith.constant 2.44140625E-4 : f32
      %mul3A_138 = vector.broadcast %mul3A_137 : f32 to vector<1x1xf32>
      %mul3A_139 = arith.mulf %broadcast_in_dim3A_136, %mul3A_138 : vector<1x1xf32>
      %swap3A_140 = arith.constant 0 : index
      %swap3A_141 = arith.constant 0 : index
      %swap3A_142 = vector.load %arg11[%swap3A_140, %swap3A_141] : memref<1x1xf32, #tpu.memory_space<vmem>>, vector<1x1xf32>
      tpu.vector_store %arg11[%swap3A_140, %swap3A_141], %mul3A_139 {strides = array<i32>} : memref<1x1xf32, #tpu.memory_space<vmem>>, vector<1x1xf32>,
    } else {
    }
    %get3A = arith.constant 0 : index
    %get3A_2 = arith.constant 0 : index
    %get3A_3 = vector.load %arg14[%get3A, %get3A_2] : memref<8x1024xf32, #tpu.memory_space<vmem>>, vector<1x1024xf32>
    %get3A_4 = arith.constant 0 : index
    %get3A_5 = arith.constant 0 : index
    %get3A_6 = vector.load %arg1[%get3A_4, %get3A_5] : memref<256x1024xf32, #tpu.memory_space<vmem>>, vector<256x1024xf32>
    %reduce_sum3A = arith.constant dense<0.000000e+00> : vector<1024xf32>
    %reduce_sum3A_7 = vector.multi_reduction <add>, %get3A_6, %reduce_sum3A [0] : vector<256x1024xf32> to vector<1024xf32>
    %broadcast_in_dim3A = vector.shape_cast %reduce_sum3A_7 : vector<1024xf32> to vector<1x1024xf32>
    %add3A = arith.addf %get3A_3, %broadcast_in_dim3A : vector<1x1024xf32>
    %swap3A = arith.constant 0 : index
    %swap3A_8 = arith.constant 0 : index
    %swap3A_9 = vector.load %arg14[%swap3A, %swap3A_8] : memref<8x1024xf32, #tpu.memory_space<vmem>>, vector<1x1024xf32>
    tpu.vector_store %arg14[%swap3A, %swap3A_8], %add3A {strides = array<i32>} : memref<8x1024xf32, #tpu.memory_space<vmem>>, vector<1x1024xf32>,
    %get3A_10 = arith.constant 1 : index
    %get3A_11 = arith.constant 0 : index
    %get3A_12 = vector.load %arg14[%get3A_10, %get3A_11] : memref<8x1024xf32, #tpu.memory_space<vmem>>, vector<1x1024xf32>
    %get3A_13 = arith.constant 0 : index
    %get3A_14 = arith.constant 0 : index
    %get3A_15 = vector.load %arg2[%get3A_13, %get3A_14] : memref<256x1024xf32, #tpu.memory_space<vmem>>, vector<256x1024xf32>
    %reduce_sum3A_16 = arith.constant dense<0.000000e+00> : vector<1024xf32>
    %reduce_sum3A_17 = vector.multi_reduction <add>, %get3A_15, %reduce_sum3A_16 [0] : vector<256x1024xf32> to vector<1024xf32>
    %broadcast_in_dim3A_18 = vector.shape_cast %reduce_sum3A_17 : vector<1024xf32> to vector<1x1024xf32>
    %add3A_19 = arith.addf %get3A_12, %broadcast_in_dim3A_18 : vector<1x1024xf32>
    %swap3A_20 = arith.constant 1 : index
    %swap3A_21 = arith.constant 0 : index
    %swap3A_22 = vector.load %arg14[%swap3A_20, %swap3A_21] : memref<8x1024xf32, #tpu.memory_space<vmem>>, vector<1x1024xf32>
    tpu.vector_store %arg14[%swap3A_20, %swap3A_21], %add3A_19 {strides = array<i32>} : memref<8x1024xf32, #tpu.memory_space<vmem>>, vector<1x1024xf32>,
    %get3A_23 = arith.constant 2 : index
    %get3A_24 = arith.constant 0 : index
    %get3A_25 = vector.load %arg14[%get3A_23, %get3A_24] : memref<8x1024xf32, #tpu.memory_space<vmem>>, vector<1x1024xf32>
    %get3A_26 = arith.constant 0 : index
    %get3A_27 = arith.constant 0 : index
    %get3A_28 = vector.load %arg3[%get3A_26, %get3A_27] : memref<256x1024xf32, #tpu.memory_space<vmem>>, vector<256x1024xf32>
    %reduce_sum3A_29 = arith.constant dense<0.000000e+00> : vector<1024xf32>
    %reduce_sum3A_30 = vector.multi_reduction <add>, %get3A_28, %reduce_sum3A_29 [0] : vector<256x1024xf32> to vector<1024xf32>
    %broadcast_in_dim3A_31 = vector.shape_cast %reduce_sum3A_30 : vector<1024xf32> to vector<1x1024xf32>
    %add3A_32 = arith.addf %get3A_25, %broadcast_in_dim3A_31 : vector<1x1024xf32>
    %swap3A_33 = arith.constant 2 : index
    %swap3A_34 = arith.constant 0 : index
    %swap3A_35 = vector.load %arg14[%swap3A_33, %swap3A_34] : memref<8x1024xf32, #tpu.memory_space<vmem>>, vector<1x1024xf32>
    tpu.vector_store %arg14[%swap3A_33, %swap3A_34], %add3A_32 {strides = array<i32>} : memref<8x1024xf32, #tpu.memory_space<vmem>>, vector<1x1024xf32>,
    %get3A_36 = arith.constant 3 : index
    %get3A_37 = arith.constant 0 : index
    %get3A_38 = vector.load %arg14[%get3A_36, %get3A_37] : memref<8x1024xf32, #tpu.memory_space<vmem>>, vector<1x1024xf32>
    %get3A_39 = arith.constant 0 : index
    %get3A_40 = arith.constant 0 : index
    %get3A_41 = vector.load %arg4[%get3A_39, %get3A_40] : memref<256x1024xf32, #tpu.memory_space<vmem>>, vector<256x1024xf32>
    %reduce_sum3A_42 = arith.constant dense<0.000000e+00> : vector<1024xf32>
    %reduce_sum3A_43 = vector.multi_reduction <add>, %get3A_41, %reduce_sum3A_42 [0] : vector<256x1024xf32> to vector<1024xf32>
    %broadcast_in_dim3A_44 = vector.shape_cast %reduce_sum3A_43 : vector<1024xf32> to vector<1x1024xf32>
    %add3A_45 = arith.addf %get3A_38, %broadcast_in_dim3A_44 : vector<1x1024xf32>
    %swap3A_46 = arith.constant 3 : index
    %swap3A_47 = arith.constant 0 : index
    %swap3A_48 = vector.load %arg14[%swap3A_46, %swap3A_47] : memref<8x1024xf32, #tpu.memory_space<vmem>>, vector<1x1024xf32>
    tpu.vector_store %arg14[%swap3A_46, %swap3A_47], %add3A_45 {strides = array<i32>} : memref<8x1024xf32, #tpu.memory_space<vmem>>, vector<1x1024xf32>,
    %get3A_49 = arith.constant 4 : index
    %get3A_50 = arith.constant 0 : index
    %get3A_51 = vector.load %arg14[%get3A_49, %get3A_50] : memref<8x1024xf32, #tpu.memory_space<vmem>>, vector<1x1024xf32>
    %get3A_52 = arith.constant 0 : index
    %get3A_53 = arith.constant 0 : index
    %get3A_54 = vector.load %arg5[%get3A_52, %get3A_53] : memref<256x1024xf32, #tpu.memory_space<vmem>>, vector<256x1024xf32>
    %reduce_sum3A_55 = arith.constant dense<0.000000e+00> : vector<1024xf32>
    %reduce_sum3A_56 = vector.multi_reduction <add>, %get3A_54, %reduce_sum3A_55 [0] : vector<256x1024xf32> to vector<1024xf32>
    %broadcast_in_dim3A_57 = vector.shape_cast %reduce_sum3A_56 : vector<1024xf32> to vector<1x1024xf32>
    %add3A_58 = arith.addf %get3A_51, %broadcast_in_dim3A_57 : vector<1x1024xf32>
    %swap3A_59 = arith.constant 4 : index
    %swap3A_60 = arith.constant 0 : index
    %swap3A_61 = vector.load %arg14[%swap3A_59, %swap3A_60] : memref<8x1024xf32, #tpu.memory_space<vmem>>, vector<1x1024xf32>
    tpu.vector_store %arg14[%swap3A_59, %swap3A_60], %add3A_58 {strides = array<i32>} : memref<8x1024xf32, #tpu.memory_space<vmem>>, vector<1x1024xf32>,
    %get3A_62 = arith.constant 5 : index
    %get3A_63 = arith.constant 0 : index
    %get3A_64 = vector.load %arg14[%get3A_62, %get3A_63] : memref<8x1024xf32, #tpu.memory_space<vmem>>, vector<1x1024xf32>
    %get3A_65 = arith.constant 0 : index
    %get3A_66 = arith.constant 0 : index
    %get3A_67 = vector.load %arg6[%get3A_65, %get3A_66] : memref<256x1024xf32, #tpu.memory_space<vmem>>, vector<256x1024xf32>
    %reduce_sum3A_68 = arith.constant dense<0.000000e+00> : vector<1024xf32>
    %reduce_sum3A_69 = vector.multi_reduction <add>, %get3A_67, %reduce_sum3A_68 [0] : vector<256x1024xf32> to vector<1024xf32>
    %broadcast_in_dim3A_70 = vector.shape_cast %reduce_sum3A_69 : vector<1024xf32> to vector<1x1024xf32>
    %add3A_71 = arith.addf %get3A_64, %broadcast_in_dim3A_70 : vector<1x1024xf32>
    %swap3A_72 = arith.constant 5 : index
    %swap3A_73 = arith.constant 0 : index
    %swap3A_74 = vector.load %arg14[%swap3A_72, %swap3A_73] : memref<8x1024xf32, #tpu.memory_space<vmem>>, vector<1x1024xf32>
    tpu.vector_store %arg14[%swap3A_72, %swap3A_73], %add3A_71 {strides = array<i32>} : memref<8x1024xf32, #tpu.memory_space<vmem>>, vector<1x1024xf32>,
    %get3A_75 = arith.constant 6 : index
    %get3A_76 = arith.constant 0 : index
    %get3A_77 = vector.load %arg14[%get3A_75, %get3A_76] : memref<8x1024xf32, #tpu.memory_space<vmem>>, vector<1x1024xf32>
    %get3A_78 = arith.constant 0 : index
    %get3A_79 = arith.constant 0 : index
    %get3A_80 = vector.load %arg7[%get3A_78, %get3A_79] : memref<256x1024xf32, #tpu.memory_space<vmem>>, vector<256x1024xf32>
    %reduce_sum3A_81 = arith.constant dense<0.000000e+00> : vector<1024xf32>
    %reduce_sum3A_82 = vector.multi_reduction <add>, %get3A_80, %reduce_sum3A_81 [0] : vector<256x1024xf32> to vector<1024xf32>
    %broadcast_in_dim3A_83 = vector.shape_cast %reduce_sum3A_82 : vector<1024xf32> to vector<1x1024xf32>
    %add3A_84 = arith.addf %get3A_77, %broadcast_in_dim3A_83 : vector<1x1024xf32>
    %swap3A_85 = arith.constant 6 : index
    %swap3A_86 = arith.constant 0 : index
    %swap3A_87 = vector.load %arg14[%swap3A_85, %swap3A_86] : memref<8x1024xf32, #tpu.memory_space<vmem>>, vector<1x1024xf32>
    tpu.vector_store %arg14[%swap3A_85, %swap3A_86], %add3A_84 {strides = array<i32>} : memref<8x1024xf32, #tpu.memory_space<vmem>>, vector<1x1024xf32>,
    %get3A_88 = arith.constant 7 : index
    %get3A_89 = arith.constant 0 : index
    %get3A_90 = vector.load %arg14[%get3A_88, %get3A_89] : memref<8x1024xf32, #tpu.memory_space<vmem>>, vector<1x1024xf32>
    %get3A_91 = arith.constant 0 : index
    %get3A_92 = arith.constant 0 : index
    %get3A_93 = vector.load %arg8[%get3A_91, %get3A_92] : memref<256x1024xf32, #tpu.memory_space<vmem>>, vector<256x1024xf32>
    %reduce_sum3A_94 = arith.constant dense<0.000000e+00> : vector<1024xf32>
    %reduce_sum3A_95 = vector.multi_reduction <add>, %get3A_93, %reduce_sum3A_94 [0] : vector<256x1024xf32> to vector<1024xf32>
    %broadcast_in_dim3A_96 = vector.shape_cast %reduce_sum3A_95 : vector<1024xf32> to vector<1x1024xf32>
    %add3A_97 = arith.addf %get3A_90, %broadcast_in_dim3A_96 : vector<1x1024xf32>
    %swap3A_98 = arith.constant 7 : index
    %swap3A_99 = arith.constant 0 : index
    %swap3A_100 = vector.load %arg14[%swap3A_98, %swap3A_99] : memref<8x1024xf32, #tpu.memory_space<vmem>>, vector<1x1024xf32>
    tpu.vector_store %arg14[%swap3A_98, %swap3A_99], %add3A_97 {strides = array<i32>} : memref<8x1024xf32, #tpu.memory_space<vmem>>, vector<1x1024xf32>,
    %eq3A_101 = arith.constant 3 : i32
    %eq3A_102 = arith.cmpi eq, %arg0, %eq3A_101 : i32
    %convert_element_type3A_103 = arith.extui %eq3A_102 : i1 to i32
    %cond3A_104 = arith.constant 0 : i32
    %cond3A_105 = arith.cmpi ne, %convert_element_type3A_103, %cond3A_104 : i32
    scf.if %cond3A_105 {
      %get3A_106 = arith.constant 0 : index
      %get3A_107 = arith.constant 0 : index
      %get3A_108 = vector.load %arg14[%get3A_106, %get3A_107] : memref<8x1024xf32, #tpu.memory_space<vmem>>, vector<8x1024xf32>
      %reshape3A = vector.shape_cast %get3A_108 : vector<8x1024xf32> to vector<4x2x1024xf32>
      %reduce_sum3A_109 = arith.constant dense<0.000000e+00> : vector<4x1024xf32>
      %reduce_sum3A_110 = vector.multi_reduction <add>, %reshape3A, %reduce_sum3A_109 [1] : vector<4x2x1024xf32> to vector<4x1024xf32>
      %mul3A = arith.constant 4.8828125E-4 : f32
      %mul3A_111 = vector.broadcast %mul3A : f32 to vector<4x1024xf32>
      %mul3A_112 = arith.mulf %reduce_sum3A_110, %mul3A_111 : vector<4x1024xf32>
      %mul3A_113 = arith.mulf %mul3A_112, %mul3A_112 : vector<4x1024xf32>
      %reduce_sum3A_114 = arith.constant dense<0.000000e+00> : vector<4xf32>
      %reduce_sum3A_115 = vector.multi_reduction <add>, %mul3A_113, %reduce_sum3A_114 [1] : vector<4x1024xf32> to vector<4xf32>
      %broadcast_in_dim3A_116 = vector.shape_cast %reduce_sum3A_115 : vector<4xf32> to vector<4x1xf32>
      %max3A = arith.constant 9.99999996E-13 : f32
      %max3A_117 = vector.broadcast %max3A : f32 to vector<4x1xf32>
      %max3A_118 = arith.maximumf %broadcast_in_dim3A_116, %max3A_117 : vector<4x1xf32>
      %rsqrt3A = math.rsqrt %max3A_118 : vector<4x1xf32>
      %mul3A_119 = vector.broadcast %rsqrt3A : vector<4x1xf32> to vector<4x1024xf32>
      %mul3A_120 = arith.mulf %mul3A_112, %mul3A_119 : vector<4x1024xf32>
      %get3A_121 = arith.constant 0 : index
      %get3A_122 = arith.constant 0 : index
      %get3A_123 = vector.load %arg15[%get3A_121, %get3A_122] : memref<64x1024xf32, #tpu.memory_space<vmem>>, vector<64x1024xf32>
      %dot_general3A = arith.constant dense<0.000000e+00> : vector<4x64xf32>
      %dot_general3A_124 = tpu.matmul %mul3A_120, %get3A_123, %dot_general3A {dimension_numbers = #tpu.dot_dimension_numbers<[1], [1], [0], [0], [0, 0, 1, 0], [], []>, precision = #tpu.contract_precision<fp32>, transpose_lhs_hint = false} : vector<4x1024xf32>, vector<64x1024xf32>, vector<4x64xf32> -> vector<4x64xf32>
      %swap3A_125 = arith.constant 0 : index
      %swap3A_126 = arith.constant 0 : index
      %swap3A_127 = vector.load %arg10[%swap3A_125, %swap3A_126] : memref<4x64xf32, #tpu.memory_space<vmem>>, vector<4x64xf32>
      tpu.vector_store %arg10[%swap3A_125, %swap3A_126], %dot_general3A_124 {strides = array<i32>} : memref<4x64xf32, #tpu.memory_space<vmem>>, vector<4x64xf32>,
      %iota3A = tpu.iota {dimensions = array<i32: 1>} : vector<4x64xi32>
      %reduce_max3A = arith.constant dense<0xFF800000> : vector<4xf32>
      %reduce_max3A_128 = vector.multi_reduction <maximumf>, %dot_general3A_124, %reduce_max3A [1] : vector<4x64xf32> to vector<4xf32>
      %broadcast_in_dim3A_129 = vector.shape_cast %reduce_max3A_128 : vector<4xf32> to vector<4x1xf32>
      %eq3A_130 = vector.broadcast %broadcast_in_dim3A_129 : vector<4x1xf32> to vector<4x64xf32>
      %eq3A_131 = arith.cmpf oeq, %dot_general3A_124, %eq3A_130 : vector<4x64xf32>
      %jit3A = arith.constant 64 : i32
      %broadcast_in_dim3A_132 = vector.broadcast %jit3A : i32 to vector<4x64xi32>
      %select_n3A = arith.select %eq3A_131, %iota3A, %broadcast_in_dim3A_132 : vector<4x64xi1>, vector<4x64xi32>
      %reduce_min3A = arith.constant dense<2147483647> : vector<4xi32>
      %reduce_min3A_133 = vector.multi_reduction <minsi>, %select_n3A, %reduce_min3A [1] : vector<4x64xi32> to vector<4xi32>
      %broadcast_in_dim3A_134 = vector.shape_cast %reduce_min3A_133 : vector<4xi32> to vector<4x1xi32>
      %eq3A_135 = vector.broadcast %broadcast_in_dim3A_134 : vector<4x1xi32> to vector<4x64xi32>
      %eq3A_136 = arith.cmpi eq, %iota3A, %eq3A_135 : vector<4x64xi32>
      %jit3A_137 = arith.constant 0xFF800000 : f32
      %broadcast_in_dim3A_138 = vector.broadcast %jit3A_137 : f32 to vector<4x64xf32>
      %select_n3A_139 = arith.select %eq3A_136, %broadcast_in_dim3A_138, %dot_general3A_124 : vector<4x64xi1>, vector<4x64xf32>
      %reduce_max3A_140 = arith.constant dense<0xFF800000> : vector<4xf32>
      %reduce_max3A_141 = vector.multi_reduction <maximumf>, %select_n3A_139, %reduce_max3A_140 [1] : vector<4x64xf32> to vector<4xf32>
      %broadcast_in_dim3A_142 = vector.shape_cast %reduce_max3A_141 : vector<4xf32> to vector<4x1xf32>
      %eq3A_143 = vector.broadcast %broadcast_in_dim3A_142 : vector<4x1xf32> to vector<4x64xf32>
      %eq3A_144 = arith.cmpf oeq, %select_n3A_139, %eq3A_143 : vector<4x64xf32>
      %jit3A_145 = arith.constant 64 : i32
      %broadcast_in_dim3A_146 = vector.broadcast %jit3A_145 : i32 to vector<4x64xi32>
      %select_n3A_147 = arith.select %eq3A_144, %iota3A, %broadcast_in_dim3A_146 : vector<4x64xi1>, vector<4x64xi32>
      %reduce_min3A_148 = arith.constant dense<2147483647> : vector<4xi32>
      %reduce_min3A_149 = vector.multi_reduction <minsi>, %select_n3A_147, %reduce_min3A_148 [1] : vector<4x64xi32> to vector<4xi32>
      %broadcast_in_dim3A_150 = vector.shape_cast %reduce_min3A_149 : vector<4xi32> to vector<4x1xi32>
      %concatenate3A = tpu.concatenate %broadcast_in_dim3A_129, %broadcast_in_dim3A_142 in 1 : vector<4x1xf32>, vector<4x1xf32> -> vector<4x2xf32>
      %swap3A_151 = arith.constant 0 : index
      %swap3A_152 = arith.constant 0 : index
      %swap3A_153 = vector.load %arg12[%swap3A_151, %swap3A_152] : memref<4x2xf32, #tpu.memory_space<vmem>>, vector<4x2xf32>
      tpu.vector_store %arg12[%swap3A_151, %swap3A_152], %concatenate3A {strides = array<i32>} : memref<4x2xf32, #tpu.memory_space<vmem>>, vector<4x2xf32>,
      %iota3A_154 = tpu.iota {dimensions = array<i32: 1>} : vector<4x16xi32>
      %lt3A = arith.constant 8 : i32
      %lt3A_155 = vector.broadcast %lt3A : i32 to vector<4x16xi32>
      %lt3A_156 = arith.cmpi slt, %iota3A_154, %lt3A_155 : vector<4x16xi32>
      %broadcast_in_dim3A_157 = vector.shape_cast %broadcast_in_dim3A_134 : vector<4x1xi32> to vector<4x1xi32>
      %broadcast_in_dim3A_158 = vector.broadcast %broadcast_in_dim3A_157 : vector<4x1xi32> to vector<4x16xi32>
      %broadcast_in_dim3A_159 = vector.shape_cast %broadcast_in_dim3A_150 : vector<4x1xi32> to vector<4x1xi32>
      %broadcast_in_dim3A_160 = vector.broadcast %broadcast_in_dim3A_159 : vector<4x1xi32> to vector<4x16xi32>
      %select_n3A_161 = arith.select %lt3A_156, %broadcast_in_dim3A_158, %broadcast_in_dim3A_160 : vector<4x16xi1>, vector<4x16xi32>
      %mul3A_162 = arith.constant 8 : i32
      %mul3A_163 = vector.broadcast %mul3A_162 : i32 to vector<4x16xi32>
      %mul3A_164 = arith.muli %select_n3A_161, %mul3A_163 : vector<4x16xi32>
      %jit3A_165 = arith.constant 8 : i32
      %eq3A_166 = arith.constant 0 : i32
      %eq3A_167 = arith.cmpi eq, %jit3A_165, %eq3A_166 : i32
      %jit3A_168 = arith.constant 1 : i32
      %select_n3A_169 = arith.select %eq3A_167, %jit3A_168, %jit3A_165 : i32
      %rem3A = vector.broadcast %select_n3A_169 : i32 to vector<4x16xi32>
      %rem3A_170 = arith.remsi %iota3A_154, %rem3A : vector<4x16xi32>
      %ne3A = arith.constant 0 : i32
      %ne3A_171 = vector.broadcast %ne3A : i32 to vector<4x16xi32>
      %ne3A_172 = arith.cmpi ne, %rem3A_170, %ne3A_171 : vector<4x16xi32>
      %lt3A_173 = arith.constant 0 : i32
      %lt3A_174 = vector.broadcast %lt3A_173 : i32 to vector<4x16xi32>
      %lt3A_175 = arith.cmpi slt, %rem3A_170, %lt3A_174 : vector<4x16xi32>
      %lt3A_176 = arith.constant 0 : i32
      %lt3A_177 = arith.cmpi slt, %select_n3A_169, %lt3A_176 : i32
      %ne3A_178 = vector.broadcast %lt3A_177 : i1 to vector<4x16xi1>
      %ne3A_179 = vector.broadcast %ne3A_178 : vector<4x16xi1> to vector<4x16xi1>
      %ne3A_180 = arith.xori %lt3A_175, %ne3A_179 : vector<4x16xi1>
      %and3A = arith.andi %ne3A_180, %ne3A_172 : vector<4x16xi1>
      %add3A_181 = vector.broadcast %select_n3A_169 : i32 to vector<4x16xi32>
      %add3A_182 = arith.addi %rem3A_170, %add3A_181 : vector<4x16xi32>
      %select_n3A_183 = arith.select %and3A, %add3A_182, %rem3A_170 : vector<4x16xi1>, vector<4x16xi32>
      %add3A_184 = arith.addi %mul3A_164, %select_n3A_183 : vector<4x16xi32>
      %swap3A_185 = arith.constant 0 : index
      %swap3A_186 = arith.constant 0 : index
      %swap3A_187 = vector.load %arg13[%swap3A_185, %swap3A_186] : memref<4x16xi32, #tpu.memory_space<vmem>>, vector<4x16xi32>
      tpu.vector_store %arg13[%swap3A_185, %swap3A_186], %add3A_184 {strides = array<i32>} : memref<4x16xi32, #tpu.memory_space<vmem>>, vector<4x16xi32>,
    } else {
    }
    return
  }
  func.func @transform_0(%arg0: i32) -> (i32, i32) {
    %add3A = arith.constant 0 : i32
    %add3A_0 = arith.addi %add3A, %arg0 : i32
    %c0_i32 = arith.constant 0 : i32
    %c0_i32_1 = arith.constant 0 : i32
    return %add3A_0, %c0_i32 : i32, i32
  }
  func.func @transform_1(%arg0: i32) -> (i32, i32) {
    %add3A = arith.constant 4 : i32
    %add3A_0 = arith.addi %add3A, %arg0 : i32
    %c0_i32 = arith.constant 0 : i32
    %c0_i32_1 = arith.constant 0 : i32
    return %add3A_0, %c0_i32 : i32, i32
  }
  func.func @transform_2(%arg0: i32) -> (i32, i32) {
    %add3A = arith.constant 8 : i32
    %add3A_0 = arith.addi %add3A, %arg0 : i32
    %c0_i32 = arith.constant 0 : i32
    %c0_i32_1 = arith.constant 0 : i32
    return %add3A_0, %c0_i32 : i32, i32
  }
  func.func @transform_3(%arg0: i32) -> (i32, i32) {
    %add3A = arith.constant 12 : i32
    %add3A_0 = arith.addi %add3A, %arg0 : i32
    %c0_i32 = arith.constant 0 : i32
    %c0_i32_1 = arith.constant 0 : i32
    return %add3A_0, %c0_i32 : i32, i32
  }
  func.func @transform_4(%arg0: i32) -> (i32, i32) {
    %add3A = arith.constant 16 : i32
    %add3A_0 = arith.addi %add3A, %arg0 : i32
    %c0_i32 = arith.constant 0 : i32
    %c0_i32_1 = arith.constant 0 : i32
    return %add3A_0, %c0_i32 : i32, i32
  }
  func.func @transform_5(%arg0: i32) -> (i32, i32) {
    %add3A = arith.constant 20 : i32
    %add3A_0 = arith.addi %add3A, %arg0 : i32
    %c0_i32 = arith.constant 0 : i32
    %c0_i32_1 = arith.constant 0 : i32
    return %add3A_0, %c0_i32 : i32, i32
  }
  func.func @transform_6(%arg0: i32) -> (i32, i32) {
    %add3A = arith.constant 24 : i32
    %add3A_0 = arith.addi %add3A, %arg0 : i32
    %c0_i32 = arith.constant 0 : i32
    %c0_i32_1 = arith.constant 0 : i32
    return %add3A_0, %c0_i32 : i32, i32
  }
  func.func @transform_7(%arg0: i32) -> (i32, i32) {
    %add3A = arith.constant 28 : i32
    %add3A_0 = arith.addi %add3A, %arg0 : i32
    %c0_i32 = arith.constant 0 : i32
    %c0_i32_1 = arith.constant 0 : i32
    return %add3A_0, %c0_i32 : i32, i32
  }
  func.func @transform_8(%arg0: i32) -> (i32, i32) {
    %c0_i32 = arith.constant 0 : i32
    %c0_i32_0 = arith.constant 0 : i32
    %c0_i32_1 = arith.constant 0 : i32
    return %c0_i32, %c0_i32_0 : i32, i32
  }
  func.func @transform_9(%arg0: i32) -> (i32, i32) {
    %c0_i32 = arith.constant 0 : i32
    %c0_i32_0 = arith.constant 0 : i32
    %c0_i32_1 = arith.constant 0 : i32
    return %c0_i32, %c0_i32_0 : i32, i32
  }
  func.func @transform_10(%arg0: i32) -> (i32, i32) {
    %c0_i32 = arith.constant 0 : i32
    %c0_i32_0 = arith.constant 0 : i32
    %c0_i32_1 = arith.constant 0 : i32
    return %c0_i32, %c0_i32_0 : i32, i32
  }
  func.func @transform_11(%arg0: i32) -> (i32, i32) {
    %c0_i32 = arith.constant 0 : i32
    %c0_i32_0 = arith.constant 0 : i32
    %c0_i32_1 = arith.constant 0 : i32
    return %c0_i32, %c0_i32_0 : i32, i32
  }
  func.func @transform_12(%arg0: i32) -> (i32, i32) {
    %c0_i32 = arith.constant 0 : i32
    %c0_i32_0 = arith.constant 0 : i32
    %c0_i32_1 = arith.constant 0 : i32
    return %c0_i32, %c0_i32_0 : i32, i32
  }
}

</mosaic_0001>

<sc_bundles>
// kernel: _run.4.cloned.1.call-start
scs
__scs_entry_jumppad:
0x0: {  	(pc) =	sbr.rel $0x88, $3  }
0x1: {  	(tag) =	ssettag $0x0;
	lr =	simm.s32 $0x1  }
0x2: {  	[smem:$0x3F9E] =	sst lr;
	_ =	strace $0xD0000000  }
0x3: {  	_ = 	snop  }
0x4: {  	_ = 	snop  }
0x5: {  	_ = 	snop  }
0x6: {  	_ = 	snop  }
0x7: {  	_ = 	snop  }
__scs_overlays_trampoline_lowered:
0x8: {  	[smem:$0x3FAD] =	sst s0  }
0x9: {  	[smem:$0x3FAE] =	sst s1  }
0xa: {  	[smem:$0x3FAF] =	sst s2  }
0xb: {  	[smem:$0x3FB0] =	sst s3  }
0xc: {  	[smem:$0x3FB1] =	sst s4  }
0xd: {  	[smem:$0x3FB2] =	sst s5  }
0xe: {  	[smem:$0x3FB3] =	sst s6  }
0xf: {  	[smem:$0x3FB4] =	sst s7  }
0x10: {  	[smem:$0x3FB5] =	sst s8  }
0x11: {  	[smem:$0x3FB6] =	sst s9;
	s0 =	simm.s32 @!p0 $0x0  }
0x12: {  	s1 =	sld [smem:$0x3F9C];
	s0 =	simm.s32 @p0 $0x1  }
0x13: {  	[smem:$0x3FB7] =	sst s0;
	s0 =	simm.s32 @!p1 $0x0  }
0x14: {  	s2 =	sld [smem:$0x3F9B];
	s0 =	simm.s32 @p1 $0x1  }
0x15: {  	[smem:$0x3FB8] =	sst s0;
	s0 =	simm.s32 @!p2 $0x0  }
0x16: {  	s3 =	sld [smem:$0x3FDB];
	s0 =	simm.s32 @p2 $0x1  }
0x17: {  	s4 =	simm.s32 $0x1BF5;
	[smem:$0x3FBA] =	sst s0  }
0x18: {  	s0 =	sld [smem:$0x3F9D];
	_ =	swait.ge [sflag:s4], $0x0  }
0x19: {  	s7 =	sld [smem:$0x3F9E]  }
0x1a: {  	s8 =	sadd.s32 $0xFFFFE003, lr  }
0x1b: {  	s9 =	sadd.s32 $0xFFFFFEF7, lr;
	s5 =	simm.s32 $0xFFFFFFFF;
	p2 =	slt.u32 s8, $0xFFFFF086  }
0x1c: {  	p1 =	slt.u32 s9, $0xF7A;
	s5 =	simm.s32 @!p2 $0x0  }
0x1d: {  	s5 =	simm.s32 @p1 $0x1;
	p0 =	seq.s32 s7, s2  }
0x1e: {  	s7 =	smul.u32 @!p0 $0xF7A, s2;
	p2 =	seq.s32 @!p0 s5, $0x0  }
0x1f: {  	s9 =	smul.u32 $0xF7A, s1;
	s8 =	simm.s32 @!p0 $0x1BF5;
	p2 =	por !p2, p0  }
0x20: {  	[sflag:s8] =	ssyncset.s32 @!p0 $0xFFFFF086;
	s6 =	sadd.s32 @!p0 s3, s7;
	s7 =	simm.s32 @!p0 $0x108  }
0x21: {  	s3 =	sadd.s32 s3, s9;
	s6 =	sadd.s32 @!p0 $0x88, s6;
	s7 =	simm.s32 @p2 $0x1082  }
0x22: {  	[simem:s7], [sflag:s8] =	dma.local @!p0 [hbm:s6], $0xF7A  }
0x23: {  	s9 =	sor.u32 $0xD0000000, s2;
	s6 =	simm.s32 $0x108;
	_ =	swait.ge @!p0 [sflag:s8], $0x0  }
0x24: {  	s3 =	sadd.s32 $0x88, s3;
	s6 =	simm.s32 @!p1 $0x1082;
	[sflag:s4] =	ssyncset.s32 $0xFFFFF086  }
0x25: {  	[simem:s6], [sflag:s4] =	dma.local [hbm:s3], $0xF7A  }
0x26: {  	[smem:$0x3F9E] =	sst s1;
	(tag) =	ssettag s2;
	_ =	strace s9  }
0x27: {  	s1 =	sld [smem:$0x3FAE]  }
0x28: {  	s2 =	sld [smem:$0x3FAF]  }
0x29: {  	s4 =	sld [smem:$0x3FB1]  }
0x2a: {  	p0 =	seq.s32 s5, $0x0;
	s5 =	sld [smem:$0x3FB2]  }
0x2b: {  	s6 =	sld [smem:$0x3FB3]  }
0x2c: {  	s7 =	sld [smem:$0x3FB4]  }
0x2d: {  	s3 =	simm.s32 $0x108;
	s8 =	sld [smem:$0x3FB5]  }
0x2e: {  	s3 =	simm.s32 @!p0 $0x1082;
	s9 =	sld [smem:$0x3FB6]  }
0x2f: {  	lr =	sadd.s32 s0, s3;
	s0 =	sld [smem:$0x3FAD]  }
0x30: {  	s3 =	sld [smem:$0x3FB0]  }
0x31: {  	[smem:$0x3FB9] =	sst s10  }
0x32: {  	s10 =	sld [smem:$0x3FB7];
	_ =	sdelay $0x3  }
0x33: {  	p0 =	seq.s32 s10, $0x1;
	s10 =	sld [smem:$0x3FB9];
	_ =	sdelay $0x3  }
0x34: {  	[smem:$0x3FB9] =	sst s10  }
0x35: {  	s10 =	sld [smem:$0x3FB8];
	_ =	sdelay $0x3  }
0x36: {  	p1 =	seq.s32 s10, $0x1;
	s10 =	sld [smem:$0x3FB9];
	_ =	sdelay $0x3  }
0x37: {  	[smem:$0x3FB9] =	sst s10  }
0x38: {  	s10 =	sld [smem:$0x3FBA]  }
0x39: {  	_ = 	snop;
	(pc) =	sbr.ind lr, $3  }
0x3a: {  	_ = 	snop  }
0x3b: {  	_ = 	snop  }
0x3c: {  	p2 =	seq.s32 s10, $0x1;
	s10 =	sld [smem:$0x3FB9]  }
0x3d: {  	_ =	shalt  }
0x3e: {  	_ =	shalt  }
0x3f: {  	_ =	shalt  }
0x40: {  	_ =	shalt  }
0x41: {  	_ =	shalt  }
0x42: {  	_ =	shalt  }
0x43: {  	_ =	shalt  }
0x44: {  	_ =	shalt  }
0x45: {  	_ =	shalt  }
0x46: {  	_ =	shalt  }
0x47: {  	_ =	shalt  }
0x48: {  	_ =	shalt  }
0x49: {  	_ =	shalt  }
0x4a: {  	_ =	shalt  }
0x4b: {  	_ =	shalt  }
0x4c: {  	_ =	shalt  }
0x4d: {  	_ =	shalt  }
0x4e: {  	_ =	shalt  }
0x4f: {  	_ =	shalt  }
0x50: {  	_ =	shalt  }
0x51: {  	_ =	shalt  }
0x52: {  	_ =	shalt  }
0x53: {  	_ =	shalt  }
0x54: {  	_ =	shalt  }
0x55: {  	_ =	shalt  }
0x56: {  	_ =	shalt  }
0x57: {  	_ =	shalt  }
0x58: {  	_ =	shalt  }
0x59: {  	_ =	shalt  }
0x5a: {  	_ =	shalt  }
0x5b: {  	_ =	shalt  }
0x5c: {  	_ =	shalt  }
0x5d: {  	_ =	shalt  }
0x5e: {  	_ =	shalt  }
0x5f: {  	_ =	shalt  }
0x60: {  	_ =	shalt  }
0x61: {  	_ =	shalt  }
0x62: {  	_ =	shalt  }
0x63: {  	_ =	shalt  }
0x64: {  	_ =	shalt  }
0x65: {  	_ =	shalt  }
0x66: {  	_ =	shalt  }
0x67: {  	_ =	shalt  }
0x68: {  	_ =	shalt  }
0x69: {  	_ =	shalt  }
0x6a: {  	_ =	shalt  }
0x6b: {  	_ =	shalt  }
0x6c: {  	_ =	shalt  }
0x6d: {  	_ =	shalt  }
0x6e: {  	_ =	shalt  }
0x6f: {  	_ =	shalt  }
0x70: {  	_ =	shalt  }
0x71: {  	_ =	shalt  }
0x72: {  	_ =	shalt  }
0x73: {  	_ =	shalt  }
0x74: {  	_ =	shalt  }
0x75: {  	_ =	shalt  }
0x76: {  	_ =	shalt  }
0x77: {  	_ =	shalt  }
0x78: {  	_ =	shalt  }
0x79: {  	_ =	shalt  }
0x7a: {  	_ =	shalt  }
0x7b: {  	_ =	shalt  }
0x7c: {  	_ =	shalt  }
0x7d: {  	_ =	shalt  }
0x7e: {  	_ =	shalt  }
0x7f: {  	_ =	shalt  }
0x80: {  	_ =	shalt  }
0x81: {  	_ =	shalt  }
0x82: {  	_ =	shalt  }
0x83: {  	_ =	shalt  }
0x84: {  	_ =	shalt  }
0x85: {  	_ =	shalt  }
0x86: {  	_ =	shalt  }
0x87: {  	_ =	shalt  }
.Lfunc_end0:
.L_simem_size_0:
called_computation_lowered:
.L_overlay_start_0:
0x88: {  	s0 =	sld [smem:$0x3FD9]  }
0x89: {  	s1 =	sld [smem:$0x3FFE];
	_ =	sdelay $0x3  }
0x8a: {  	s0 =	sadd.s32 s1, s0  }
0x8b: {  	[smem:$0x3FC5] =	sst s0  }
0x8c: {  	_ = 	snop  }
0x8d: {  	s0 =	sld [smem:$0x3FD0];
	_ =	sdelay $0x2  }
0x8e: {  	s2 =	simm.s32 $0xA;
	s3 =	simm.s32 $0x10;
	s13 =	sld [smem:$0x3FC7]  }
0x8f: {  	[smem:s3], [sflag:s2] =	dma.local [hbm:s0], $0x1  }
0x90: {  	_ =	swait.eq [sflag:s2], $0x1  }
0x91: {  	[sflag:s2] =	ssyncset.done $0x0  }
0x92: {  	[sflag:s2] =	ssyncadd.s32 $0xFFFFFFFF  }
0x93: {  	s14 =	sld [smem:$0x14];
	(tm) =	ssettm $0x1  }
0x94: {  	s15 =	sld [smem:$0x3FFB];
	_ =	sdelay $0x3  }
0x95: {  	_ =	strace s15  }
0x96: {  	s2 =	sld [smem:$0x3FFC];
	_ =	sdelay $0x3  }
0x97: {  	_ =	strace s2  }
0x98: {  	s2 =	sld [smem:$0x3FFD];
	_ =	sdelay $0x3  }
0x99: {  	_ =	strace s2  }
0x9a: {  	_ =	strace $0x8FFFFFFF  }
0x9b: {  	s16 =	sld [smem:$0x3FDB];
	_ =	sdelay $0x1  }
0x9c: {  	s17 =	simm.s32 $_scs_section_size  }
0x9d: {  	s4 =	simm.s32 $_size__tile_overlayer_lowered;
	s5 =	simm.s32 $_tile_overlayer_lowered  }
0x9e: {  	s20 =	simm.s32 $0x1BFF;
	s19 =	sshll.u32 s5, $0x1;
	s2 =	sadd.s32 s17, s16  }
0x9f: {  	s6 =	simm.s32 $0x0;
	s18 =	sshll.u32 s4, $0x1;
	s4 =	sadd.s32 s19, s2  }
0xa0: {  	[timem:s6], [sflag:s20] =	dma.local [hbm:s4], s18  }
0xa1: {  	_ =	swait.ge [sflag:s20], s18  }
0xa2: {  	s3 =	ssub.s32 $0x0, s18;
	[sflag:s20] =	ssyncset.done $0x0  }
0xa3: {  	[sflag:s20] =	ssyncadd.s32 s3;
	_ =	sdelay $0x1  }
0xa4: {  	s21 =	simm.s32 $0x1B8B  }
0xa5: {  	_ =	swait.ge [sflag:s21], $0x1  }
0xa6: {  	[sflag:s21] =	ssyncset.done $0x0  }
0xa7: {  	s23 =	simm.s32 $0x1B8E;
	s22 =	sld [smem:$0x3FFE];
	[sflag:s21] =	ssyncadd.s32 $0xFFFFFFFF  }
0xa8: {  	s24 =	simm.s32 $execute0_lowered;
	[smem:$0x3FD2] =	sst s23  }
0xa9: {  	s4 =	sshll.u32 s24, $0x1;
	_ =	strace $0x80000046;
	[dreg:$0x1] =	wrdreg $0xFFFFFFFF  }
0xaa: {  	s25 =	simm.s32 $_size_execute0_lowered;
	s2 =	sadd.s32 s2, s4;
	[dreg:$0x0] =	wrdreg $0x0  }
0xab: {  	s4 =	sshll.u32 s25, $0x1;
	[dreg:$0x2] =	wrdreg s2  }
0xac: {  	[dreg:$0x3] =	wrdreg s4  }
0xad: {  	[dreg:$0x4] =	wrdreg $0xC0  }
0xae: {  	_ =	task [dreg:s6], $0x5FFFF  }
0xaf: {  	[dreg:$0x1] =	wrdreg $0xFFFFFFFF  }
0xb0: {  	[dreg:$0x0] =	wrdreg $0x60  }
0xb1: {  	[dreg:$0x2] =	wrdreg s13  }
0xb2: {  	[dreg:$0x3] =	wrdreg s22  }
0xb3: {  	[dreg:$0x4] =	wrdreg s14  }
0xb4: {  	[dreg:$0x5] =	wrdreg $0x9  }
0xb5: {  	_ =	task.clear_ibuf [dreg:s6], $0x6FFFF;
	_ =	strace $0x90000046  }
0xb6: {  	s26 =	simm.s32 $0x9;
	_ =	strace $0x80000048  }
0xb7: {  	_ =	swait.ge [sflag:s26], $0x1  }
0xb8: {  	[sflag:s26] =	ssyncadd.s32 $0xFFFFFFFF  }
0xb9: {  	_ =	strace $0x90000048  }
0xba: {  	_ =	sfence  }
0xbb: {  	s28 =	sld [smem:$0x0];
	_ =	sdelay $0x1  }
0xbc: {  	s29 =	srdreg.scid  }
0xbd: {  	s30 =	sshll.u32 s29, $0xD;
	s31 =	sshrl.u32 s29, $0x2  }
0xbe: {  	s1 =	sand.u32 $0x1, s29;
	s2 =	sand.u32 $0x4000, s30;
	s0 =	sadd.s32 s31, s28  }
0xbf: {  	s1 =	sor.u32 s2, s1;
	s0 =	sshll.u32 s0, $0x11  }
0xc0: {  	s0 =	sor.u32 s0, s1  }
0xc1: {  	s0 =	sadd.s32 $0x8F2B, s0  }
0xc2: {  	[sflag:s0] =	ssyncadd.remote.s32 $0x1  }
0xc3: {  	_ =	sfence.sel $0xFFFF  }
0xc4: {  	[dreg:$0x0] =	wrdreg $0xFFFFFFFF;
	(pc) =	sbr.abs _section_cstart, $3  }
0xc5: {  	[dreg:$0x1] =	wrdreg $0xFFFFFFFF  }
0xc6: {  	_ =	task.clear_ibuf [dreg:s6], $0x2FFFF;
	_ =	strace $0x9FFFFFFF  }
0xc7: {  	(tm) =	ssettm $0x7FFFFFFF  }
tec
execute0_lowered:
.L_overlay_start_1:
0x0: {  	(tag) =	ssettag $0x1  }
0x1: {  	s0 =	rddreg [dreg:$0x0]  }
0x2: {  	s1 =	rddreg [dreg:$0x1]  }
0x3: {  	s2 =	rddreg [dreg:$0x2];
	s3 =	stileid.u32  }
0x4: {  	s4 =	rddreg [dreg:$0x3];
	s5 =	simm.s32 $0x0;
	p0 =	sgt.u32 s3, $0x7  }
0x5: {  	s1 =	sadd.s32 $0xA00, s1;
	s6 =	sshll.u32 @!p0 s3, $0x3;
	s7 =	sand.u32 @!p0 $0x1, s3  }
0x6: {  	[smem:$0x7FF] =	sst s5;
	s5 =	sand.u32 @!p0 $0x30, s6;
	s1 =	sadd.s32 @!p0 s1, s7  }
0x7: {  	_ =	strace $0x80000047;
	s1 =	sadd.s32 @!p0 s5, s1;
	s5 =	simm.s32 @!p0 $0x0  }
0x8: {  	[tilespmem:s5], [sflag:$0x2] =	stream.linear.gather @!p0 [hbm4b:s1+s5], $0x8, $0x38;
	[tilespmem:$0x2080] =	vst v63  }
0x9: {  	s1 =	simm.s32 @!p0 $0x2  }
0xa: {  	_ =	swait.ge @!p0 [sflag:s1], $0x8  }
0xb: {  	[sflag:s1] =	ssyncset.done @!p0 $0x0  }
0xc: {  	[sflag:s1] =	ssyncadd.s32 @!p0 $0xFFFFFFF8  }
0xd: {  	v0 =	vld.msk @!p0 [tilespmem:$0x0], $0xff;
	_ =	sdelay $0x4  }
0xe: {  	v1 =	vshll.u32 @!p0 v0, $0x3  }
0xf: {  	v2 =	vlaneseq.u32 @!p0;
	v0 =	vand.u32 @!p0 $0x7, v0;
	v1 =	vand.u32 @!p0 $0xFFFFFFC0, v1  }
0x10: {  	v0 =	vor.u32 @!p0 v0, v1;
	v1 =	vand.u32 @!p0 $0x7, v2;
	v2 =	vshrl.u32 @!p0 v2, $0x3  }
0x11: {  	v0 =	vperm.xlane @!p0 v0, v1;
	v1 =	vmul.u32 @!p0 $0x8, v2;
	_ =	sdelay $0x1  }
0x12: {  	v0 =	vadd.s32 @!p0 v1, v0;
	_ =	sdelay $0x3  }
0x13: {  	vm0 =	vmmov @!p0 $0xffff;
	s6 =	simm.s32 @!p0 $0x80  }
0x14: {  	[tilespmem:s6], [sflag:$0x1] =	stream.indirect_vreg.gather @!p0 [hbm4b:s0+s5], $0x80, v0, vm0, $0xb8;
	[tilespmem:$0x2080] =	vst v63  }
0x15: {  	s8 =	simm.s32 @!p0 $0x880;
	s7 =	sadd.s32 @!p0 $0x100, s0  }
0x16: {  	[tilespmem:s8], [sflag:$0x1] =	stream.indirect_vreg.gather @!p0 [hbm4b:s7+s5], $0x80, v0, vm0, $0xb8;
	[tilespmem:$0x2080] =	vst v63  }
0x17: {  	s7 =	sadd.s32 @!p0 $0x200, s0;
	s8 =	simm.s32 @!p0 $0x1080  }
0x18: {  	[tilespmem:s8], [sflag:$0x1] =	stream.indirect_vreg.gather @!p0 [hbm4b:s7+s5], $0x80, v0, vm0, $0xb8;
	[tilespmem:$0x2080] =	vst v63  }
0x19: {  	s0 =	sadd.s32 @!p0 $0x300, s0;
	s7 =	simm.s32 @!p0 $0x1880  }
0x1a: {  	[tilespmem:s7], [sflag:$0x1] =	stream.indirect_vreg.gather @!p0 [hbm4b:s0+s5], $0x80, v0, vm0, $0xb8;
	[tilespmem:$0x2080] =	vst v63  }
0x1b: {  	s0 =	simm.s32 @!p0 $0x1  }
0x1c: {  	_ =	swait.ge @!p0 [sflag:s0], $0x2000  }
0x1d: {  	s7 =	sshll.u32 @!p0 s3, $0xA;
	[sflag:s0] =	ssyncset.done @!p0 $0x0  }
0x1e: {  	s2 =	sadd.s32 @!p0 s2, s7;
	[sflag:s0] =	ssyncadd.s32 @!p0 $0xFFFFE000  }
0x1f: {  	[hbm4b:s2+s5] =	stream.linear.scatter @!p0 [tilespmem:s6], [sflag:$0x2], $0x2000, $0x38;
	[tilespmem:$0x2080] =	vst v63  }
0x20: {  	_ =	swait.ge @!p0 [sflag:s1], $0x2000  }
0x21: {  	[sflag:s1] =	ssyncset.done @!p0 $0x0  }
0x22: {  	[sflag:s1] =	ssyncadd.s32 @!p0 $0xFFFFE000  }
0x23: {  	_ =	sfence.sel $0x180000  }
0x24: {  	[bflag:$0x0] =	sbarrier.arrive $0xFFFF  }
0x25: {  	p0 =	sne.s32 s3, $0x0;
	_ =	strace $0x90000047  }
0x26: {  	s0 =	sadd.s32 @!p0 $0x100000, s4;
	[bflag:$0x2] =	sbarrier.arrive $0xFFFF  }
0x27: {  	[sflag:s0] =	ssyncadd.tile.s32 @!p0 $0x1;
	_ =	shalt  }
.Lfunc_end2:
_tile_overlayer_lowered:
.L_overlay_start_2:
0x28: {  	(tag) =	ssettag $0x2  }
0x29: {  	s0 =	rddreg [dreg:$0x0];
	s2 =	stileid.u32  }
0x2a: {  	s1 =	rddreg [dreg:$0x1];
	p0 =	sne.s32 s2, $0x0  }
0x2b: {  	s3 =	rddreg [dreg:$0x2];
	[bflag:$0x3] =	sbarrier.arrive $0xFFFF;
	s2 =	simm.s32 @!p0 $0x1C02  }
0x2c: {  	[timem:s3], [sflag:s2] =	dma.local @!p0 [hbm:s0], s1  }
0x2d: {  	s0 =	simm.s32 @!p0 $0x2  }
0x2e: {  	_ =	swait.ge @!p0 [sflag:s0], s1  }
0x2f: {  	s1 =	ssub.s32 @!p0 $0x0, s1;
	[sflag:s0] =	ssyncset.done @!p0 $0x0  }
0x30: {  	[sflag:s0] =	ssyncadd.s32 @!p0 s1  }
0x31: {  	[bflag:$0x3] =	sbarrier.arrive $0xFFFF  }
0x32: {  	_ =	shalt  }

</sc_bundles>
